<compile_context>
chip_gen: v7x
topology: tpu7x:2x2x1
jax: 0.10.2.dev20260603
libtpu: 0.0.44.dev20260713+nightly
codegen_flags: <defaults>
</compile_context>

<pallas_src>
import functools
import math

import jax
import jax.numpy as jnp
from jax import lax
from jax.experimental import pallas as pl
from jax.experimental.pallas import tpu as pltpu
from jax.experimental.pallas import tpu_sc as plsc

_BETA = 0.99
_C = 1000
_B = 16384
_ROWS = 2048
_GRID = _B // _ROWS
_LN_BETA = math.log(_BETA)

_NS = 16
_CHUNK = _B // _NS
_CPAD = 1024
_L = 16


def _sc_body(t_hbm, wt_hbm, t_v, t2_v, ones_v, z_v, cnt_v, w_v, wt_v,
             shared_cnt):
    sid = lax.axis_index("s")
    base = sid * _CHUNK

    pltpu.sync_copy(t_hbm.at[pl.ds(base, _CHUNK)], t_v)

    def _fill(j, c):
        ones_v[pl.ds(j * _L, _L)] = jnp.ones((_L,), jnp.float32)
        t2_v[j // 8, pl.ds((j % 8) * _L, _L)] = t_v[pl.ds(j * _L, _L)]
        return c
    lax.fori_loop(0, _CHUNK // _L, _fill, 0)

    @pl.when(sid == 0)
    def _zero():
        def _z(j, c):
            z_v[pl.ds(j * _L, _L)] = jnp.zeros((_L,), jnp.float32)
            return c
        lax.fori_loop(0, _CPAD // _L, _z, 0)

    plsc.subcore_barrier()

    @pl.when(sid == 0)
    def _zcopy():
        pltpu.sync_copy(z_v, shared_cnt)

    plsc.subcore_barrier()

    def _hist(j, c):
        pltpu.sync_copy(ones_v.at[pl.ds(j * 128, 128)],
                        shared_cnt.at[t2_v.at[j]], add=True)
        return c
    lax.fori_loop(0, _CHUNK // 128, _hist, 0)

    plsc.subcore_barrier()
    pltpu.sync_copy(shared_cnt, cnt_v)

    def _weights(j, c):
        cnt = cnt_v[pl.ds(j * _L, _L)]
        freq = cnt * (1.0 / _B)
        eff = 1.0 - jnp.exp(freq * _LN_BETA)
        w_v[pl.ds(j * _L, _L)] = (1.0 - _BETA) / eff
        return c
    lax.fori_loop(0, _CPAD // _L, _weights, 0)

    def _gather(j, c):
        ts = t_v[pl.ds(j * _L, _L)]
        wt_v[pl.ds(j * _L, _L)] = plsc.load_gather(w_v, [ts])
        return c
    lax.fori_loop(0, _CHUNK // _L, _gather, 0)

    plsc.subcore_barrier()
    nsub = _ROWS // _CHUNK
    pltpu.sync_copy(
        wt_v, wt_hbm.at[sid // nsub, 0,
                        pl.ds((sid % nsub) * _CHUNK, _CHUNK)])


_sc_weight_kernel = functools.partial(
    pl.kernel,
    out_type=jax.ShapeDtypeStruct((_GRID, 1, _ROWS), jnp.float32),
    mesh=plsc.VectorSubcoreMesh(core_axis_name="c", subcore_axis_name="s",
                                num_cores=1),
    compiler_params=pltpu.CompilerParams(needs_layout_passes=False),
    scratch_types=[
        pltpu.VMEM((_CHUNK,), jnp.int32),
        pltpu.VMEM((_CHUNK // 128, 128), jnp.int32),
        pltpu.VMEM((_CHUNK,), jnp.float32),
        pltpu.VMEM((_CPAD,), jnp.float32),
        pltpu.VMEM((_CPAD,), jnp.float32),
        pltpu.VMEM((_CPAD,), jnp.float32),
        pltpu.VMEM((_CHUNK,), jnp.float32),
        pltpu.VMEM_SHARED((_CPAD,), jnp.float32),
    ],
)(_sc_body)


def _tc_body(x_ref, t_ref, wt_ref, loss_ref, num_ref, den_ref):
    i = pl.program_id(0)

    @pl.when(i == 0)
    def _init():
        num_ref[...] = jnp.zeros_like(num_ref)
        den_ref[...] = jnp.zeros_like(den_ref)

    x = x_ref[...]
    t = t_ref[0, 0, :]
    wt = wt_ref[0, 0, :][None, :]
    m = jnp.max(x, axis=1, keepdims=True)
    e = jnp.exp(x - m)
    se = jnp.sum(e, axis=1, keepdims=True)
    cols = jax.lax.broadcasted_iota(jnp.int32, (_ROWS, _C), 1)
    mask = cols == t[:, None]
    picked = jnp.sum(jnp.where(mask, x, 0.0), axis=1, keepdims=True)
    nll = (m + jnp.log(se) - picked).T
    num_ref[...] += jnp.sum(wt * nll)[None, None]
    den_ref[...] += jnp.sum(wt)[None, None]

    @pl.when(i == _GRID - 1)
    def _fin():
        loss_ref[...] = num_ref[...] / den_ref[...]


def kernel(output, target):
    wt = _sc_weight_kernel(target.astype(jnp.int32))
    t3 = target.astype(jnp.int32).reshape(_GRID, 1, _ROWS)
    loss = pl.pallas_call(
        _tc_body,
        grid=(_GRID,),
        in_specs=[
            pl.BlockSpec((_ROWS, _C), lambda i: (i, 0)),
            pl.BlockSpec((1, 1, _ROWS), lambda i: (i, 0, 0)),
            pl.BlockSpec((1, 1, _ROWS), lambda i: (i, 0, 0)),
        ],
        out_specs=pl.BlockSpec((1, 1), lambda i: (0, 0)),
        out_shape=jax.ShapeDtypeStruct((1, 1), jnp.float32),
        scratch_shapes=[
            pltpu.VMEM((1, 1), jnp.float32),
            pltpu.VMEM((1, 1), jnp.float32),
        ],
    )(output, t3, wt)
    return loss[0, 0]

# --- scband reference (transcript-rebuilt; emitter-appended) ---
"""Pipeline reference for scband-class-balanced-loss-58506044506373 (READ-ONLY COPY).

The authoritative reference and input builder live on the scoring server;
editing this copy changes nothing except your own understanding.
"""

import jax, jax.numpy as jnp
import numpy as np

BETA = 0.99
NUM_CLASSES = 1000
BATCH = 16384

def setup_inputs(seed: int = 0) -> dict:
    key = jax.random.key(seed)
    k1, k2 = jax.random.split(key)
    output = jax.random.normal(k1, (BATCH, NUM_CLASSES), dtype=jnp.float32)
    target = jax.random.randint(k2, (BATCH,), 0, NUM_CLASSES, dtype=jnp.int64 if jax.config.jax_enable_x64 else jnp.int32)
    return {"output": output, "target": target}

def reference(output, target):
    n = target.shape[0]
    class_count = jnp.bincount(target, length=NUM_CLASSES)
    class_freq = class_count.astype(jnp.float32) / n
    effective_num = 1.0 - jnp.power(jnp.float32(BETA), class_freq)
    class_weights = (1.0 - BETA) / effective_num
    # weighted cross entropy, PyTorch 'mean' reduction: sum(w_i * nll_i) / sum(w_i)
    log_probs = jax.nn.log_softmax(output, axis=-1)
    nll = -jnp.take_along_axis(log_probs, target[:, None], axis=1)[:, 0]
    w = jnp.take(class_weights, target, axis=0)
    loss = jnp.sum(w * nll) / jnp.sum(w)
    return loss

if __name__ == "__main__":
    import jax
    _d = setup_inputs()
    print(jax.jit(kernel)(*tuple(_d.values())))

</pallas_src>

<mosaic_0001>
#map = affine_map<(d0, d1) -> (0)>
#map1 = affine_map<(d0, d1) -> (0, 0, 0)>
module attributes {stable_mosaic.version = 14 : i64} {
  func.func @_sc_body(%arg0: i32, %arg1: i32, %arg2: memref<16384xi32, #tpu.memory_space<hbm>>, %arg3: memref<8x1x2048xf32, #tpu.memory_space<hbm>>, %arg4: memref<1024xi32, #tpu.memory_space<vmem>>, %arg5: memref<8x128xi32, #tpu.memory_space<vmem>>, %arg6: memref<1024xf32, #tpu.memory_space<vmem>>, %arg7: memref<1024xf32, #tpu.memory_space<vmem>>, %arg8: memref<1024xf32, #tpu.memory_space<vmem>>, %arg9: memref<1024xf32, #tpu.memory_space<vmem>>, %arg10: memref<1024xf32, #tpu.memory_space<vmem>>, %arg11: memref<1024xf32, #tpu.memory_space<vmem_shared>>) attributes {dimension_semantics = [#tpu.dimension_semantics<core_parallel>, #tpu.dimension_semantics<subcore_parallel>], iteration_bounds = array<i64: 1, 16>, scalar_prefetch = 0 : i64, scratch_operands = 8 : i64, tpu.core_type = #tpu.core_type<sc_vector_subcore>, window_params = [{transform_indices = #map}, {transform_indices = #map1}]} {
    %mul3A = arith.constant 1024 : i32
    %mul3A_0 = arith.muli %arg1, %mul3A : i32
    "tpu.region"() ({
      %run_scoped3A_66 = tpu.sem_alloc : memref<!tpu.dma_semaphore, #tpu.memory_space<semaphore_mem>>
      %dma_start3A = tpu.memref_slice %arg2[%mul3A_0] : memref<16384xi32, #tpu.memory_space<hbm>> -> memref<1024xi32, #tpu.memory_space<hbm>>
      %dma_start3A_67 = tpu.memref_slice %arg2[%mul3A_0] : memref<16384xi32, #tpu.memory_space<hbm>> -> memref<1024xi32, #tpu.memory_space<hbm>>
      tpu.enqueue_dma source(%dma_start3A_67 : memref<1024xi32, #tpu.memory_space<hbm>>) target(%arg4 : memref<1024xi32, #tpu.memory_space<vmem>>) target_semaphore(%run_scoped3A_66 : memref<!tpu.dma_semaphore, #tpu.memory_space<semaphore_mem>>)
      %dma_wait3A = tpu.memref_slice %arg2[%mul3A_0] : memref<16384xi32, #tpu.memory_space<hbm>> -> memref<1024xi32, #tpu.memory_space<hbm>>
      %dma_wait3A_68 = tpu.memref_slice %arg2[%mul3A_0] : memref<16384xi32, #tpu.memory_space<hbm>> -> memref<1024xi32, #tpu.memory_space<hbm>>
      tpu.wait_dma2 semaphore(%run_scoped3A_66 : memref<!tpu.dma_semaphore, #tpu.memory_space<semaphore_mem>>) src(%dma_wait3A_68 : memref<1024xi32, #tpu.memory_space<hbm>>) dst(%arg4 : memref<1024xi32, #tpu.memory_space<vmem>>)
      tpu.yield
    }) : () -> ()
    %scan3A = arith.constant 0 : i32
    %scan3A_1 = arith.constant 0 : i32
    %scan3A_2 = arith.constant 64 : i32
    %scan3A_3 = arith.addi %scan3A_1, %scan3A_2 : i32
    %scan3A_4 = arith.constant 1 : i32
    scf.for %scan3A_66 = %scan3A_1 to %scan3A_3 step %scan3A_4  : i32 {
      %broadcast_in_dim3A = arith.constant 1.000000e+00 : f32
      %broadcast_in_dim3A_67 = vector.broadcast %broadcast_in_dim3A : f32 to vector<16xf32>
      %mul3A_68 = arith.constant 16 : i32
      %mul3A_69 = arith.muli %scan3A_66, %mul3A_68 : i32
      %swap3A = arith.index_cast %mul3A_69 : i32 to index
      %swap3A_70 = tpu.vector_load %arg6[%swap3A] {strides = array<i32>} : memref<1024xf32, #tpu.memory_space<vmem>>, vector<16xf32>,
      tpu.vector_store %arg6[%swap3A], %broadcast_in_dim3A_67 {strides = array<i32>} : memref<1024xf32, #tpu.memory_space<vmem>>, vector<16xf32>,
      %mul3A_71 = arith.constant 16 : i32
      %mul3A_72 = arith.muli %scan3A_66, %mul3A_71 : i32
      %get3A = arith.index_cast %mul3A_72 : i32 to index
      %get3A_73 = tpu.vector_load %arg4[%get3A] {strides = array<i32>} : memref<1024xi32, #tpu.memory_space<vmem>>, vector<16xi32>,
      %jit3A_74 = arith.constant 8 : i32
      %div3A_75 = arith.divsi %scan3A_66, %jit3A_74 : i32
      %sign3A_76 = arith.constant 0 : i32
      %sign3A_77 = arith.cmpi sgt, %scan3A_66, %sign3A_76 : i32
      %sign3A_78 = arith.extui %sign3A_77 : i1 to i32
      %sign3A_79 = arith.constant 0 : i32
      %sign3A_80 = arith.cmpi slt, %scan3A_66, %sign3A_79 : i32
      %sign3A_81 = arith.extui %sign3A_80 : i1 to i32
      %sign3A_82 = arith.subi %sign3A_78, %sign3A_81 : i32
      %sign3A_83 = arith.constant 0 : i32
      %sign3A_84 = arith.cmpi sgt, %jit3A_74, %sign3A_83 : i32
      %sign3A_85 = arith.extui %sign3A_84 : i1 to i32
      %sign3A_86 = arith.constant 0 : i32
      %sign3A_87 = arith.cmpi slt, %jit3A_74, %sign3A_86 : i32
      %sign3A_88 = arith.extui %sign3A_87 : i1 to i32
      %sign3A_89 = arith.subi %sign3A_85, %sign3A_88 : i32
      %ne3A_90 = arith.cmpi ne, %sign3A_82, %sign3A_89 : i32
      %rem3A_91 = arith.remsi %scan3A_66, %jit3A_74 : i32
      %ne3A_92 = arith.constant 0 : i32
      %ne3A_93 = arith.cmpi ne, %rem3A_91, %ne3A_92 : i32
      %and3A_94 = arith.andi %ne3A_90, %ne3A_93 : i1
      %sub3A_95 = arith.constant 1 : i32
      %sub3A_96 = arith.subi %div3A_75, %sub3A_95 : i32
      %select_n3A_97 = arith.select %and3A_94, %sub3A_96, %div3A_75 : i32
      %jit3A_98 = arith.constant 8 : i32
      %eq3A_99 = arith.constant 0 : i32
      %eq3A_100 = arith.cmpi eq, %jit3A_98, %eq3A_99 : i32
      %jit3A_101 = arith.constant 1 : i32
      %select_n3A_102 = arith.select %eq3A_100, %jit3A_101, %jit3A_98 : i32
      %rem3A_103 = arith.remsi %scan3A_66, %select_n3A_102 : i32
      %ne3A_104 = arith.constant 0 : i32
      %ne3A_105 = arith.cmpi ne, %rem3A_103, %ne3A_104 : i32
      %lt3A_106 = arith.constant 0 : i32
      %lt3A_107 = arith.cmpi slt, %rem3A_103, %lt3A_106 : i32
      %lt3A_108 = arith.constant 0 : i32
      %lt3A_109 = arith.cmpi slt, %select_n3A_102, %lt3A_108 : i32
      %ne3A_110 = arith.xori %lt3A_107, %lt3A_109 : i1
      %and3A_111 = arith.andi %ne3A_110, %ne3A_105 : i1
      %add3A_112 = arith.addi %rem3A_103, %select_n3A_102 : i32
      %select_n3A_113 = arith.select %and3A_111, %add3A_112, %rem3A_103 : i32
      %mul3A_114 = arith.constant 16 : i32
      %mul3A_115 = arith.muli %select_n3A_113, %mul3A_114 : i32
      %swap3A_116 = arith.index_cast %select_n3A_97 : i32 to index
      %swap3A_117 = arith.index_cast %mul3A_115 : i32 to index
      %swap3A_118 = tpu.vector_load %arg5[%swap3A_116, %swap3A_117] {strides = array<i32>} : memref<8x128xi32, #tpu.memory_space<vmem>>, vector<16xi32>,
      tpu.vector_store %arg5[%swap3A_116, %swap3A_117], %get3A_73 {strides = array<i32>} : memref<8x128xi32, #tpu.memory_space<vmem>>, vector<16xi32>,
    }
    %scan3A_5 = arith.constant 64 : i32
    %eq3A = arith.constant 0 : i32
    %eq3A_6 = arith.cmpi eq, %arg1, %eq3A : i32
    %convert_element_type3A = arith.extui %eq3A_6 : i1 to i32
    %cond3A = arith.constant 0 : i32
    %cond3A_7 = arith.cmpi ne, %convert_element_type3A, %cond3A : i32
    scf.if %cond3A_7 {
      %scan3A_66 = arith.constant 0 : i32
      %scan3A_67 = arith.constant 0 : i32
      %scan3A_68 = arith.constant 64 : i32
      %scan3A_69 = arith.addi %scan3A_67, %scan3A_68 : i32
      %scan3A_70 = arith.constant 1 : i32
      scf.for %scan3A_72 = %scan3A_67 to %scan3A_69 step %scan3A_70  : i32 {
        %broadcast_in_dim3A = arith.constant 0.000000e+00 : f32
        %broadcast_in_dim3A_73 = vector.broadcast %broadcast_in_dim3A : f32 to vector<16xf32>
        %mul3A_74 = arith.constant 16 : i32
        %mul3A_75 = arith.muli %scan3A_72, %mul3A_74 : i32
        %swap3A = arith.index_cast %mul3A_75 : i32 to index
        %swap3A_76 = tpu.vector_load %arg7[%swap3A] {strides = array<i32>} : memref<1024xf32, #tpu.memory_space<vmem>>, vector<16xf32>,
        tpu.vector_store %arg7[%swap3A], %broadcast_in_dim3A_73 {strides = array<i32>} : memref<1024xf32, #tpu.memory_space<vmem>>, vector<16xf32>,
      }
      %scan3A_71 = arith.constant 64 : i32
    } else {
    }
    %barrier3A = arith.constant 0 : index
    tpu.barrier barrier_id(%barrier3A)
    %eq3A_8 = arith.constant 0 : i32
    %eq3A_9 = arith.cmpi eq, %arg1, %eq3A_8 : i32
    %convert_element_type3A_10 = arith.extui %eq3A_9 : i1 to i32
    %cond3A_11 = arith.constant 0 : i32
    %cond3A_12 = arith.cmpi ne, %convert_element_type3A_10, %cond3A_11 : i32
    scf.if %cond3A_12 {
      "tpu.region"() ({
        %run_scoped3A_66 = tpu.sem_alloc : memref<!tpu.dma_semaphore, #tpu.memory_space<semaphore_mem>>
        tpu.enqueue_dma source(%arg7 : memref<1024xf32, #tpu.memory_space<vmem>>) target(%arg11 : memref<1024xf32, #tpu.memory_space<vmem_shared>>) target_semaphore(%run_scoped3A_66 : memref<!tpu.dma_semaphore, #tpu.memory_space<semaphore_mem>>)
        tpu.wait_dma2 semaphore(%run_scoped3A_66 : memref<!tpu.dma_semaphore, #tpu.memory_space<semaphore_mem>>) src(%arg7 : memref<1024xf32, #tpu.memory_space<vmem>>) dst(%arg11 : memref<1024xf32, #tpu.memory_space<vmem_shared>>)
        tpu.yield
      }) : () -> ()
    } else {
    }
    %barrier3A_13 = arith.constant 0 : index
    tpu.barrier barrier_id(%barrier3A_13)
    %scan3A_14 = arith.constant 0 : i32
    %scan3A_15 = arith.constant 0 : i32
    %scan3A_16 = arith.constant 8 : i32
    %scan3A_17 = arith.addi %scan3A_15, %scan3A_16 : i32
    %scan3A_18 = arith.constant 1 : i32
    scf.for %scan3A_66 = %scan3A_15 to %scan3A_17 step %scan3A_18  : i32 {
      %mul3A_67 = arith.constant 128 : i32
      %mul3A_68 = arith.muli %scan3A_66, %mul3A_67 : i32
      "tpu.region"() ({
        %run_scoped3A_69 = tpu.sem_alloc : memref<!tpu.dma_semaphore, #tpu.memory_space<semaphore_mem>>
        %dma_start3A = tpu.memref_slice %arg6[%mul3A_68] : memref<1024xf32, #tpu.memory_space<vmem>> -> memref<128xf32, #tpu.memory_space<vmem>>
        %dma_start3A_70 = arith.constant 0 : i32
        %dma_start3A_71 = tpu.memref_slice %arg5[%scan3A_66, %dma_start3A_70] : memref<8x128xi32, #tpu.memory_space<vmem>> -> memref<1x128xi32, #tpu.memory_space<vmem>>
        %dma_start3A_72 = tpu.memref_squeeze %dma_start3A_71 : memref<1x128xi32, #tpu.memory_space<vmem>> -> memref<128xi32, #tpu.memory_space<vmem>>
        %dma_start3A_73 = arith.constant 0 : i32
        %dma_start3A_74 = tpu.memref_slice %arg11[%dma_start3A_73] : memref<1024xf32, #tpu.memory_space<vmem_shared>> -> memref<1024xf32, #tpu.memory_space<vmem_shared>>
        tpu.enqueue_indirect_dma source(%dma_start3A : memref<128xf32, #tpu.memory_space<vmem>>) target(%dma_start3A_74 : memref<1024xf32, #tpu.memory_space<vmem_shared>>) offsets(%dma_start3A_72 : memref<128xi32, #tpu.memory_space<vmem>>) semaphore(%run_scoped3A_69 : memref<!tpu.dma_semaphore, #tpu.memory_space<semaphore_mem>>) {add = true}
        %dma_wait3A = tpu.memref_slice %arg6[%mul3A_68] : memref<1024xf32, #tpu.memory_space<vmem>> -> memref<128xf32, #tpu.memory_space<vmem>>
        %dma_wait3A_75 = arith.constant 0 : i32
        %dma_wait3A_76 = tpu.memref_slice %arg5[%scan3A_66, %dma_wait3A_75] : memref<8x128xi32, #tpu.memory_space<vmem>> -> memref<1x128xi32, #tpu.memory_space<vmem>>
        %dma_wait3A_77 = tpu.memref_squeeze %dma_wait3A_76 : memref<1x128xi32, #tpu.memory_space<vmem>> -> memref<128xi32, #tpu.memory_space<vmem>>
        %dma_wait3A_78 = arith.constant 0 : i32
        %dma_wait3A_79 = tpu.memref_slice %arg11[%dma_wait3A_78] : memref<1024xf32, #tpu.memory_space<vmem_shared>> -> memref<1024xf32, #tpu.memory_space<vmem_shared>>
        tpu.wait_indirect_dma semaphore(%run_scoped3A_69 : memref<!tpu.dma_semaphore, #tpu.memory_space<semaphore_mem>>) src(%dma_wait3A : memref<128xf32, #tpu.memory_space<vmem>>) dst(%dma_wait3A_79 : memref<1024xf32, #tpu.memory_space<vmem_shared>>)
        tpu.yield
      }) : () -> ()
    }
    %scan3A_19 = arith.constant 8 : i32
    %barrier3A_20 = arith.constant 0 : index
    tpu.barrier barrier_id(%barrier3A_20)
    "tpu.region"() ({
      %run_scoped3A_66 = tpu.sem_alloc : memref<!tpu.dma_semaphore, #tpu.memory_space<semaphore_mem>>
      tpu.enqueue_dma source(%arg11 : memref<1024xf32, #tpu.memory_space<vmem_shared>>) target(%arg8 : memref<1024xf32, #tpu.memory_space<vmem>>) target_semaphore(%run_scoped3A_66 : memref<!tpu.dma_semaphore, #tpu.memory_space<semaphore_mem>>)
      tpu.wait_dma2 semaphore(%run_scoped3A_66 : memref<!tpu.dma_semaphore, #tpu.memory_space<semaphore_mem>>) src(%arg11 : memref<1024xf32, #tpu.memory_space<vmem_shared>>) dst(%arg8 : memref<1024xf32, #tpu.memory_space<vmem>>)
      tpu.yield
    }) : () -> ()
    %scan3A_21 = arith.constant 0 : i32
    %scan3A_22 = arith.constant 0 : i32
    %scan3A_23 = arith.constant 64 : i32
    %scan3A_24 = arith.addi %scan3A_22, %scan3A_23 : i32
    %scan3A_25 = arith.constant 1 : i32
    scf.for %scan3A_66 = %scan3A_22 to %scan3A_24 step %scan3A_25  : i32 {
      %mul3A_67 = arith.constant 16 : i32
      %mul3A_68 = arith.muli %scan3A_66, %mul3A_67 : i32
      %get3A = arith.index_cast %mul3A_68 : i32 to index
      %get3A_69 = tpu.vector_load %arg8[%get3A] {strides = array<i32>} : memref<1024xf32, #tpu.memory_space<vmem>>, vector<16xf32>,
      %mul3A_70 = arith.constant 6.10351563E-5 : f32
      %mul3A_71 = vector.broadcast %mul3A_70 : f32 to vector<16xf32>
      %mul3A_72 = arith.mulf %get3A_69, %mul3A_71 : vector<16xf32>
      %mul3A_73 = arith.constant -0.0100503359 : f32
      %mul3A_74 = vector.broadcast %mul3A_73 : f32 to vector<16xf32>
      %mul3A_75 = arith.mulf %mul3A_72, %mul3A_74 : vector<16xf32>
      %exp3A = math.exp %mul3A_75 : vector<16xf32>
      %sub3A_76 = arith.constant 1.000000e+00 : f32
      %sub3A_77 = vector.broadcast %sub3A_76 : f32 to vector<16xf32>
      %sub3A_78 = arith.subf %sub3A_77, %exp3A : vector<16xf32>
      %div3A_79 = arith.constant 0.00999999977 : f32
      %div3A_80 = vector.broadcast %div3A_79 : f32 to vector<16xf32>
      %div3A_81 = arith.divf %div3A_80, %sub3A_78 : vector<16xf32>
      %mul3A_82 = arith.constant 16 : i32
      %mul3A_83 = arith.muli %scan3A_66, %mul3A_82 : i32
      %swap3A = arith.index_cast %mul3A_83 : i32 to index
      %swap3A_84 = tpu.vector_load %arg9[%swap3A] {strides = array<i32>} : memref<1024xf32, #tpu.memory_space<vmem>>, vector<16xf32>,
      tpu.vector_store %arg9[%swap3A], %div3A_81 {strides = array<i32>} : memref<1024xf32, #tpu.memory_space<vmem>>, vector<16xf32>,
    }
    %scan3A_26 = arith.constant 64 : i32
    %scan3A_27 = arith.constant 0 : i32
    %scan3A_28 = arith.constant 0 : i32
    %scan3A_29 = arith.constant 64 : i32
    %scan3A_30 = arith.addi %scan3A_28, %scan3A_29 : i32
    %scan3A_31 = arith.constant 1 : i32
    scf.for %scan3A_66 = %scan3A_28 to %scan3A_30 step %scan3A_31  : i32 {
      %mul3A_67 = arith.constant 16 : i32
      %mul3A_68 = arith.muli %scan3A_66, %mul3A_67 : i32
      %get3A = arith.index_cast %mul3A_68 : i32 to index
      %get3A_69 = tpu.vector_load %arg4[%get3A] {strides = array<i32>} : memref<1024xi32, #tpu.memory_space<vmem>>, vector<16xi32>,
      %gather3A = tpu.vector_load_idx %arg9[%get3A_69] : memref<1024xf32, #tpu.memory_space<vmem>>[vector<16xi32>], vector<16xf32>,
      %mul3A_70 = arith.constant 16 : i32
      %mul3A_71 = arith.muli %scan3A_66, %mul3A_70 : i32
      %swap3A = arith.index_cast %mul3A_71 : i32 to index
      %swap3A_72 = tpu.vector_load %arg10[%swap3A] {strides = array<i32>} : memref<1024xf32, #tpu.memory_space<vmem>>, vector<16xf32>,
      tpu.vector_store %arg10[%swap3A], %gather3A {strides = array<i32>} : memref<1024xf32, #tpu.memory_space<vmem>>, vector<16xf32>,
    }
    %scan3A_32 = arith.constant 64 : i32
    %barrier3A_33 = arith.constant 0 : index
    tpu.barrier barrier_id(%barrier3A_33)
    %jit3A = arith.constant 2 : i32
    %div3A = arith.divsi %arg1, %jit3A : i32
    %sign3A = arith.constant 0 : i32
    %sign3A_34 = arith.cmpi sgt, %arg1, %sign3A : i32
    %sign3A_35 = arith.extui %sign3A_34 : i1 to i32
    %sign3A_36 = arith.constant 0 : i32
    %sign3A_37 = arith.cmpi slt, %arg1, %sign3A_36 : i32
    %sign3A_38 = arith.extui %sign3A_37 : i1 to i32
    %sign3A_39 = arith.subi %sign3A_35, %sign3A_38 : i32
    %sign3A_40 = arith.constant 0 : i32
    %sign3A_41 = arith.cmpi sgt, %jit3A, %sign3A_40 : i32
    %sign3A_42 = arith.extui %sign3A_41 : i1 to i32
    %sign3A_43 = arith.constant 0 : i32
    %sign3A_44 = arith.cmpi slt, %jit3A, %sign3A_43 : i32
    %sign3A_45 = arith.extui %sign3A_44 : i1 to i32
    %sign3A_46 = arith.subi %sign3A_42, %sign3A_45 : i32
    %ne3A = arith.cmpi ne, %sign3A_39, %sign3A_46 : i32
    %rem3A = arith.remsi %arg1, %jit3A : i32
    %ne3A_47 = arith.constant 0 : i32
    %ne3A_48 = arith.cmpi ne, %rem3A, %ne3A_47 : i32
    %and3A = arith.andi %ne3A, %ne3A_48 : i1
    %sub3A = arith.constant 1 : i32
    %sub3A_49 = arith.subi %div3A, %sub3A : i32
    %select_n3A = arith.select %and3A, %sub3A_49, %div3A : i32
    %jit3A_50 = arith.constant 2 : i32
    %eq3A_51 = arith.constant 0 : i32
    %eq3A_52 = arith.cmpi eq, %jit3A_50, %eq3A_51 : i32
    %jit3A_53 = arith.constant 1 : i32
    %select_n3A_54 = arith.select %eq3A_52, %jit3A_53, %jit3A_50 : i32
    %rem3A_55 = arith.remsi %arg1, %select_n3A_54 : i32
    %ne3A_56 = arith.constant 0 : i32
    %ne3A_57 = arith.cmpi ne, %rem3A_55, %ne3A_56 : i32
    %lt3A = arith.constant 0 : i32
    %lt3A_58 = arith.cmpi slt, %rem3A_55, %lt3A : i32
    %lt3A_59 = arith.constant 0 : i32
    %lt3A_60 = arith.cmpi slt, %select_n3A_54, %lt3A_59 : i32
    %ne3A_61 = arith.xori %lt3A_58, %lt3A_60 : i1
    %and3A_62 = arith.andi %ne3A_61, %ne3A_57 : i1
    %add3A = arith.addi %rem3A_55, %select_n3A_54 : i32
    %select_n3A_63 = arith.select %and3A_62, %add3A, %rem3A_55 : i32
    %mul3A_64 = arith.constant 1024 : i32
    %mul3A_65 = arith.muli %select_n3A_63, %mul3A_64 : i32
    %run_scoped3A = arith.constant 0 : i32
    "tpu.region"() ({
      %run_scoped3A_66 = tpu.sem_alloc : memref<!tpu.dma_semaphore, #tpu.memory_space<semaphore_mem>>
      %dma_start3A = tpu.memref_slice %arg3[%select_n3A, %run_scoped3A, %mul3A_65] : memref<8x1x2048xf32, #tpu.memory_space<hbm>> -> memref<1x1x1024xf32, #tpu.memory_space<hbm>>
      %dma_start3A_67 = tpu.memref_squeeze %dma_start3A : memref<1x1x1024xf32, #tpu.memory_space<hbm>> -> memref<1024xf32, #tpu.memory_space<hbm>>
      %dma_start3A_68 = tpu.memref_slice %arg3[%select_n3A, %run_scoped3A, %mul3A_65] : memref<8x1x2048xf32, #tpu.memory_space<hbm>> -> memref<1x1x1024xf32, #tpu.memory_space<hbm>>
      %dma_start3A_69 = tpu.memref_squeeze %dma_start3A_68 : memref<1x1x1024xf32, #tpu.memory_space<hbm>> -> memref<1024xf32, #tpu.memory_space<hbm>>
      tpu.enqueue_dma source(%arg10 : memref<1024xf32, #tpu.memory_space<vmem>>) target(%dma_start3A_69 : memref<1024xf32, #tpu.memory_space<hbm>>) target_semaphore(%run_scoped3A_66 : memref<!tpu.dma_semaphore, #tpu.memory_space<semaphore_mem>>)
      %dma_wait3A = tpu.memref_slice %arg3[%select_n3A, %run_scoped3A, %mul3A_65] : memref<8x1x2048xf32, #tpu.memory_space<hbm>> -> memref<1x1x1024xf32, #tpu.memory_space<hbm>>
      %dma_wait3A_70 = tpu.memref_squeeze %dma_wait3A : memref<1x1x1024xf32, #tpu.memory_space<hbm>> -> memref<1024xf32, #tpu.memory_space<hbm>>
      %dma_wait3A_71 = tpu.memref_slice %arg3[%select_n3A, %run_scoped3A, %mul3A_65] : memref<8x1x2048xf32, #tpu.memory_space<hbm>> -> memref<1x1x1024xf32, #tpu.memory_space<hbm>>
      %dma_wait3A_72 = tpu.memref_squeeze %dma_wait3A_71 : memref<1x1x1024xf32, #tpu.memory_space<hbm>> -> memref<1024xf32, #tpu.memory_space<hbm>>
      tpu.wait_dma2 semaphore(%run_scoped3A_66 : memref<!tpu.dma_semaphore, #tpu.memory_space<semaphore_mem>>) src(%arg10 : memref<1024xf32, #tpu.memory_space<vmem>>) dst(%dma_wait3A_72 : memref<1024xf32, #tpu.memory_space<hbm>>)
      tpu.yield
    }) : () -> ()
    return
  }
}

module attributes {stable_mosaic.version = 14 : i64} {
  func.func @_tc_body(%arg0: i32, %arg1: memref<2048x1000xf32, #tpu.memory_space<vmem>>, %arg2: memref<1x1x2048xi32, #tpu.memory_space<vmem>>, %arg3: memref<1x1x2048xf32, #tpu.memory_space<vmem>>, %arg4: memref<1x1xf32, #tpu.memory_space<vmem>>, %arg5: memref<1x1xf32, #tpu.memory_space<vmem>>, %arg6: memref<1x1xf32, #tpu.memory_space<vmem>>) attributes {dimension_semantics = [#tpu.dimension_semantics<arbitrary>], iteration_bounds = array<i64: 8>, scalar_prefetch = 0 : i64, scratch_operands = 2 : i64, tpu.core_type = #tpu.core_type<tc>, window_params = [{transform_indices = @transform_0, window_bounds = array<i64: 2048, 1000>}, {transform_indices = @transform_1, window_bounds = array<i64: 1, 1, 2048>}, {transform_indices = @transform_2, window_bounds = array<i64: 1, 1, 2048>}, {pipeline_mode = #tpu.pipeline_mode<synchronous>, transform_indices = @transform_3, window_bounds = array<i64: 1, 1>}]} {
    %eq3A = arith.constant 0 : i32
    %eq3A_0 = arith.cmpi eq, %arg0, %eq3A : i32
    %convert_element_type3A = arith.extui %eq3A_0 : i1 to i32
    %cond3A = arith.constant 0 : i32
    %cond3A_1 = arith.cmpi ne, %convert_element_type3A, %cond3A : i32
    scf.if %cond3A_1 {
      %broadcast_in_dim3A_57 = arith.constant 0.000000e+00 : f32
      %broadcast_in_dim3A_58 = vector.broadcast %broadcast_in_dim3A_57 : f32 to vector<1x1xf32>
      %swap3A_59 = arith.constant 0 : index
      %swap3A_60 = arith.constant 0 : index
      %swap3A_61 = vector.load %arg5[%swap3A_59, %swap3A_60] : memref<1x1xf32, #tpu.memory_space<vmem>>, vector<1x1xf32>
      tpu.vector_store %arg5[%swap3A_59, %swap3A_60], %broadcast_in_dim3A_58 {strides = array<i32>} : memref<1x1xf32, #tpu.memory_space<vmem>>, vector<1x1xf32>,
      %broadcast_in_dim3A_62 = arith.constant 0.000000e+00 : f32
      %broadcast_in_dim3A_63 = vector.broadcast %broadcast_in_dim3A_62 : f32 to vector<1x1xf32>
      %swap3A_64 = arith.constant 0 : index
      %swap3A_65 = arith.constant 0 : index
      %swap3A_66 = vector.load %arg6[%swap3A_64, %swap3A_65] : memref<1x1xf32, #tpu.memory_space<vmem>>, vector<1x1xf32>
      tpu.vector_store %arg6[%swap3A_64, %swap3A_65], %broadcast_in_dim3A_63 {strides = array<i32>} : memref<1x1xf32, #tpu.memory_space<vmem>>, vector<1x1xf32>,
    } else {
    }
    %get3A = arith.constant 0 : index
    %get3A_2 = arith.constant 0 : index
    %get3A_3 = vector.load %arg1[%get3A, %get3A_2] : memref<2048x1000xf32, #tpu.memory_space<vmem>>, vector<2048x1000xf32>
    %get3A_4 = arith.constant 0 : index
    %get3A_5 = arith.constant 0 : index
    %get3A_6 = arith.constant 0 : index
    %get3A_7 = vector.load %arg2[%get3A_4, %get3A_5, %get3A_6] : memref<1x1x2048xi32, #tpu.memory_space<vmem>>, vector<1x1x2048xi32>
    %get3A_8 = vector.shape_cast %get3A_7 : vector<1x1x2048xi32> to vector<2048xi32>
    %get3A_9 = arith.constant 0 : index
    %get3A_10 = arith.constant 0 : index
    %get3A_11 = arith.constant 0 : index
    %get3A_12 = vector.load %arg3[%get3A_9, %get3A_10, %get3A_11] : memref<1x1x2048xf32, #tpu.memory_space<vmem>>, vector<1x1x2048xf32>
    %get3A_13 = vector.shape_cast %get3A_12 : vector<1x1x2048xf32> to vector<2048xf32>
    %broadcast_in_dim3A = vector.shape_cast %get3A_13 : vector<2048xf32> to vector<1x2048xf32>
    %reduce_max3A = arith.constant dense<0xFF800000> : vector<2048xf32>
    %reduce_max3A_14 = vector.multi_reduction <maximumf>, %get3A_3, %reduce_max3A [1] : vector<2048x1000xf32> to vector<2048xf32>
    %broadcast_in_dim3A_15 = vector.shape_cast %reduce_max3A_14 : vector<2048xf32> to vector<2048x1xf32>
    %sub3A = vector.broadcast %broadcast_in_dim3A_15 : vector<2048x1xf32> to vector<2048x1000xf32>
    %sub3A_16 = arith.subf %get3A_3, %sub3A : vector<2048x1000xf32>
    %exp3A = math.exp %sub3A_16 : vector<2048x1000xf32>
    %reduce_sum3A = arith.constant dense<0.000000e+00> : vector<2048xf32>
    %reduce_sum3A_17 = vector.multi_reduction <add>, %exp3A, %reduce_sum3A [1] : vector<2048x1000xf32> to vector<2048xf32>
    %broadcast_in_dim3A_18 = vector.shape_cast %reduce_sum3A_17 : vector<2048xf32> to vector<2048x1xf32>
    %iota3A = tpu.iota {dimensions = array<i32: 1>} : vector<2048x1000xi32>
    %broadcast_in_dim3A_19 = vector.shape_cast %get3A_8 : vector<2048xi32> to vector<2048x1xi32>
    %eq3A_20 = vector.broadcast %broadcast_in_dim3A_19 : vector<2048x1xi32> to vector<2048x1000xi32>
    %eq3A_21 = arith.cmpi eq, %iota3A, %eq3A_20 : vector<2048x1000xi32>
    %jit3A = arith.constant 0.000000e+00 : f32
    %broadcast_in_dim3A_22 = vector.broadcast %jit3A : f32 to vector<2048x1000xf32>
    %select_n3A = arith.select %eq3A_21, %get3A_3, %broadcast_in_dim3A_22 : vector<2048x1000xi1>, vector<2048x1000xf32>
    %reduce_sum3A_23 = arith.constant dense<0.000000e+00> : vector<2048xf32>
    %reduce_sum3A_24 = vector.multi_reduction <add>, %select_n3A, %reduce_sum3A_23 [1] : vector<2048x1000xf32> to vector<2048xf32>
    %broadcast_in_dim3A_25 = vector.shape_cast %reduce_sum3A_24 : vector<2048xf32> to vector<2048x1xf32>
    %log3A = math.log %broadcast_in_dim3A_18 : vector<2048x1xf32>
    %add3A = arith.addf %broadcast_in_dim3A_15, %log3A : vector<2048x1xf32>
    %sub3A_26 = arith.subf %add3A, %broadcast_in_dim3A_25 : vector<2048x1xf32>
    %transpose3A = tpu.transpose %sub3A_26, [1, 0] : vector<2048x1xf32> -> vector<1x2048xf32>
    %get3A_27 = arith.constant 0 : index
    %get3A_28 = arith.constant 0 : index
    %get3A_29 = vector.load %arg5[%get3A_27, %get3A_28] : memref<1x1xf32, #tpu.memory_space<vmem>>, vector<1x1xf32>
    %mul3A = arith.mulf %broadcast_in_dim3A, %transpose3A : vector<1x2048xf32>
    %reduce_sum3A_30 = vector.shape_cast %mul3A : vector<1x2048xf32> to vector<1x1x2048xf32>
    %reduce_sum3A_31 = arith.constant dense<0.000000e+00> : vector<1xf32>
    %reduce_sum3A_32 = vector.multi_reduction <add>, %reduce_sum3A_30, %reduce_sum3A_31 [1, 2] : vector<1x1x2048xf32> to vector<1xf32>
    %reduce_sum3A_33 = vector.shape_cast %reduce_sum3A_32 : vector<1xf32> to vector<1x1x1xf32>
    %reduce_sum3A_34 = vector.extract %reduce_sum3A_33[0, 0, 0] : f32 from vector<1x1x1xf32>
    %broadcast_in_dim3A_35 = vector.broadcast %reduce_sum3A_34 : f32 to vector<1x1xf32>
    %add3A_36 = arith.addf %get3A_29, %broadcast_in_dim3A_35 : vector<1x1xf32>
    %swap3A = arith.constant 0 : index
    %swap3A_37 = arith.constant 0 : index
    %swap3A_38 = vector.load %arg5[%swap3A, %swap3A_37] : memref<1x1xf32, #tpu.memory_space<vmem>>, vector<1x1xf32>
    tpu.vector_store %arg5[%swap3A, %swap3A_37], %add3A_36 {strides = array<i32>} : memref<1x1xf32, #tpu.memory_space<vmem>>, vector<1x1xf32>,
    %get3A_39 = arith.constant 0 : index
    %get3A_40 = arith.constant 0 : index
    %get3A_41 = vector.load %arg6[%get3A_39, %get3A_40] : memref<1x1xf32, #tpu.memory_space<vmem>>, vector<1x1xf32>
    %reduce_sum3A_42 = vector.shape_cast %broadcast_in_dim3A : vector<1x2048xf32> to vector<1x1x2048xf32>
    %reduce_sum3A_43 = arith.constant dense<0.000000e+00> : vector<1xf32>
    %reduce_sum3A_44 = vector.multi_reduction <add>, %reduce_sum3A_42, %reduce_sum3A_43 [1, 2] : vector<1x1x2048xf32> to vector<1xf32>
    %reduce_sum3A_45 = vector.shape_cast %reduce_sum3A_44 : vector<1xf32> to vector<1x1x1xf32>
    %reduce_sum3A_46 = vector.extract %reduce_sum3A_45[0, 0, 0] : f32 from vector<1x1x1xf32>
    %broadcast_in_dim3A_47 = vector.broadcast %reduce_sum3A_46 : f32 to vector<1x1xf32>
    %add3A_48 = arith.addf %get3A_41, %broadcast_in_dim3A_47 : vector<1x1xf32>
    %swap3A_49 = arith.constant 0 : index
    %swap3A_50 = arith.constant 0 : index
    %swap3A_51 = vector.load %arg6[%swap3A_49, %swap3A_50] : memref<1x1xf32, #tpu.memory_space<vmem>>, vector<1x1xf32>
    tpu.vector_store %arg6[%swap3A_49, %swap3A_50], %add3A_48 {strides = array<i32>} : memref<1x1xf32, #tpu.memory_space<vmem>>, vector<1x1xf32>,
    %eq3A_52 = arith.constant 7 : i32
    %eq3A_53 = arith.cmpi eq, %arg0, %eq3A_52 : i32
    %convert_element_type3A_54 = arith.extui %eq3A_53 : i1 to i32
    %cond3A_55 = arith.constant 0 : i32
    %cond3A_56 = arith.cmpi ne, %convert_element_type3A_54, %cond3A_55 : i32
    scf.if %cond3A_56 {
      %get3A_57 = arith.constant 0 : index
      %get3A_58 = arith.constant 0 : index
      %get3A_59 = vector.load %arg5[%get3A_57, %get3A_58] : memref<1x1xf32, #tpu.memory_space<vmem>>, vector<1x1xf32>
      %get3A_60 = arith.constant 0 : index
      %get3A_61 = arith.constant 0 : index
      %get3A_62 = vector.load %arg6[%get3A_60, %get3A_61] : memref<1x1xf32, #tpu.memory_space<vmem>>, vector<1x1xf32>
      %div3A = arith.divf %get3A_59, %get3A_62 : vector<1x1xf32>
      %swap3A_63 = arith.constant 0 : index
      %swap3A_64 = arith.constant 0 : index
      %swap3A_65 = vector.load %arg4[%swap3A_63, %swap3A_64] : memref<1x1xf32, #tpu.memory_space<vmem>>, vector<1x1xf32>
      tpu.vector_store %arg4[%swap3A_63, %swap3A_64], %div3A {strides = array<i32>} : memref<1x1xf32, #tpu.memory_space<vmem>>, vector<1x1xf32>,
    } else {
    }
    return
  }
  func.func @transform_0(%arg0: i32) -> (i32, i32) {
    %c0_i32 = arith.constant 0 : i32
    %c0_i32_0 = arith.constant 0 : i32
    return %arg0, %c0_i32 : i32, i32
  }
  func.func @transform_1(%arg0: i32) -> (i32, i32, i32) {
    %c0_i32 = arith.constant 0 : i32
    %c0_i32_0 = arith.constant 0 : i32
    %c0_i32_1 = arith.constant 0 : i32
    return %arg0, %c0_i32, %c0_i32_0 : i32, i32, i32
  }
  func.func @transform_2(%arg0: i32) -> (i32, i32, i32) {
    %c0_i32 = arith.constant 0 : i32
    %c0_i32_0 = arith.constant 0 : i32
    %c0_i32_1 = arith.constant 0 : i32
    return %arg0, %c0_i32, %c0_i32_0 : i32, i32, i32
  }
  func.func @transform_3(%arg0: i32) -> (i32, i32) {
    %c0_i32 = arith.constant 0 : i32
    %c0_i32_0 = arith.constant 0 : i32
    %c0_i32_1 = arith.constant 0 : i32
    return %c0_i32, %c0_i32_0 : i32, i32
  }
}

</mosaic_0001>

<sc_bundles>
// kernel: kernel.4.cloned.1.call-start
scs
__scs_entry_jumppad:
0x0: {  	(pc) =	sbr.rel $0x88, $3  }
0x1: {  	(tag) =	ssettag $0x0;
	lr =	simm.s32 $0x1  }
0x2: {  	[smem:$0x3F9F] =	sst lr;
	_ =	strace $0xD0000000  }
0x3: {  	_ = 	snop  }
0x4: {  	_ = 	snop  }
0x5: {  	_ = 	snop  }
0x6: {  	_ = 	snop  }
0x7: {  	_ = 	snop  }
__scs_overlays_trampoline_lowered:
0x8: {  	[smem:$0x3FAE] =	sst s0  }
0x9: {  	[smem:$0x3FAF] =	sst s1  }
0xa: {  	[smem:$0x3FB0] =	sst s2  }
0xb: {  	[smem:$0x3FB1] =	sst s3  }
0xc: {  	[smem:$0x3FB2] =	sst s4  }
0xd: {  	[smem:$0x3FB3] =	sst s5  }
0xe: {  	[smem:$0x3FB4] =	sst s6  }
0xf: {  	[smem:$0x3FB5] =	sst s7  }
0x10: {  	[smem:$0x3FB6] =	sst s8  }
0x11: {  	[smem:$0x3FB7] =	sst s9;
	s0 =	simm.s32 @!p0 $0x0  }
0x12: {  	s1 =	sld [smem:$0x3F9D];
	s0 =	simm.s32 @p0 $0x1  }
0x13: {  	[smem:$0x3FB8] =	sst s0;
	s0 =	simm.s32 @!p1 $0x0  }
0x14: {  	s2 =	sld [smem:$0x3F9C];
	s0 =	simm.s32 @p1 $0x1  }
0x15: {  	[smem:$0x3FB9] =	sst s0;
	s0 =	simm.s32 @!p2 $0x0  }
0x16: {  	s3 =	sld [smem:$0x3FDB];
	s0 =	simm.s32 @p2 $0x1  }
0x17: {  	s4 =	simm.s32 $0x1BF5;
	[smem:$0x3FBB] =	sst s0  }
0x18: {  	s0 =	sld [smem:$0x3F9E];
	_ =	swait.ge [sflag:s4], $0x0  }
0x19: {  	s7 =	sld [smem:$0x3F9F]  }
0x1a: {  	s8 =	sadd.s32 $0xFFFFE003, lr  }
0x1b: {  	s9 =	sadd.s32 $0xFFFFFEF7, lr;
	s5 =	simm.s32 $0xFFFFFFFF;
	p2 =	slt.u32 s8, $0xFFFFF086  }
0x1c: {  	p1 =	slt.u32 s9, $0xF7A;
	s5 =	simm.s32 @!p2 $0x0  }
0x1d: {  	s5 =	simm.s32 @p1 $0x1;
	p0 =	seq.s32 s7, s2  }
0x1e: {  	s7 =	smul.u32 @!p0 $0xF7A, s2;
	p2 =	seq.s32 @!p0 s5, $0x0  }
0x1f: {  	s9 =	smul.u32 $0xF7A, s1;
	s8 =	simm.s32 @!p0 $0x1BF5;
	p2 =	por !p2, p0  }
0x20: {  	[sflag:s8] =	ssyncset.s32 @!p0 $0xFFFFF086;
	s6 =	sadd.s32 @!p0 s3, s7;
	s7 =	simm.s32 @!p0 $0x108  }
0x21: {  	s3 =	sadd.s32 s3, s9;
	s6 =	sadd.s32 @!p0 $0x88, s6;
	s7 =	simm.s32 @p2 $0x1082  }
0x22: {  	[simem:s7], [sflag:s8] =	dma.local @!p0 [hbm:s6], $0xF7A  }
0x23: {  	s9 =	sor.u32 $0xD0000000, s2;
	s6 =	simm.s32 $0x108;
	_ =	swait.ge @!p0 [sflag:s8], $0x0  }
0x24: {  	s3 =	sadd.s32 $0x88, s3;
	s6 =	simm.s32 @!p1 $0x1082;
	[sflag:s4] =	ssyncset.s32 $0xFFFFF086  }
0x25: {  	[simem:s6], [sflag:s4] =	dma.local [hbm:s3], $0xF7A  }
0x26: {  	[smem:$0x3F9F] =	sst s1;
	(tag) =	ssettag s2;
	_ =	strace s9  }
0x27: {  	s1 =	sld [smem:$0x3FAF]  }
0x28: {  	s2 =	sld [smem:$0x3FB0]  }
0x29: {  	s4 =	sld [smem:$0x3FB2]  }
0x2a: {  	p0 =	seq.s32 s5, $0x0;
	s5 =	sld [smem:$0x3FB3]  }
0x2b: {  	s6 =	sld [smem:$0x3FB4]  }
0x2c: {  	s7 =	sld [smem:$0x3FB5]  }
0x2d: {  	s3 =	simm.s32 $0x108;
	s8 =	sld [smem:$0x3FB6]  }
0x2e: {  	s3 =	simm.s32 @!p0 $0x1082;
	s9 =	sld [smem:$0x3FB7]  }
0x2f: {  	lr =	sadd.s32 s0, s3;
	s0 =	sld [smem:$0x3FAE]  }
0x30: {  	s3 =	sld [smem:$0x3FB1]  }
0x31: {  	[smem:$0x3FBA] =	sst s10  }
0x32: {  	s10 =	sld [smem:$0x3FB8];
	_ =	sdelay $0x3  }
0x33: {  	p0 =	seq.s32 s10, $0x1;
	s10 =	sld [smem:$0x3FBA];
	_ =	sdelay $0x3  }
0x34: {  	[smem:$0x3FBA] =	sst s10  }
0x35: {  	s10 =	sld [smem:$0x3FB9];
	_ =	sdelay $0x3  }
0x36: {  	p1 =	seq.s32 s10, $0x1;
	s10 =	sld [smem:$0x3FBA];
	_ =	sdelay $0x3  }
0x37: {  	[smem:$0x3FBA] =	sst s10  }
0x38: {  	s10 =	sld [smem:$0x3FBB]  }
0x39: {  	_ = 	snop;
	(pc) =	sbr.ind lr, $3  }
0x3a: {  	_ = 	snop  }
0x3b: {  	_ = 	snop  }
0x3c: {  	p2 =	seq.s32 s10, $0x1;
	s10 =	sld [smem:$0x3FBA]  }
0x3d: {  	_ =	shalt  }
0x3e: {  	_ =	shalt  }
0x3f: {  	_ =	shalt  }
0x40: {  	_ =	shalt  }
0x41: {  	_ =	shalt  }
0x42: {  	_ =	shalt  }
0x43: {  	_ =	shalt  }
0x44: {  	_ =	shalt  }
0x45: {  	_ =	shalt  }
0x46: {  	_ =	shalt  }
0x47: {  	_ =	shalt  }
0x48: {  	_ =	shalt  }
0x49: {  	_ =	shalt  }
0x4a: {  	_ =	shalt  }
0x4b: {  	_ =	shalt  }
0x4c: {  	_ =	shalt  }
0x4d: {  	_ =	shalt  }
0x4e: {  	_ =	shalt  }
0x4f: {  	_ =	shalt  }
0x50: {  	_ =	shalt  }
0x51: {  	_ =	shalt  }
0x52: {  	_ =	shalt  }
0x53: {  	_ =	shalt  }
0x54: {  	_ =	shalt  }
0x55: {  	_ =	shalt  }
0x56: {  	_ =	shalt  }
0x57: {  	_ =	shalt  }
0x58: {  	_ =	shalt  }
0x59: {  	_ =	shalt  }
0x5a: {  	_ =	shalt  }
0x5b: {  	_ =	shalt  }
0x5c: {  	_ =	shalt  }
0x5d: {  	_ =	shalt  }
0x5e: {  	_ =	shalt  }
0x5f: {  	_ =	shalt  }
0x60: {  	_ =	shalt  }
0x61: {  	_ =	shalt  }
0x62: {  	_ =	shalt  }
0x63: {  	_ =	shalt  }
0x64: {  	_ =	shalt  }
0x65: {  	_ =	shalt  }
0x66: {  	_ =	shalt  }
0x67: {  	_ =	shalt  }
0x68: {  	_ =	shalt  }
0x69: {  	_ =	shalt  }
0x6a: {  	_ =	shalt  }
0x6b: {  	_ =	shalt  }
0x6c: {  	_ =	shalt  }
0x6d: {  	_ =	shalt  }
0x6e: {  	_ =	shalt  }
0x6f: {  	_ =	shalt  }
0x70: {  	_ =	shalt  }
0x71: {  	_ =	shalt  }
0x72: {  	_ =	shalt  }
0x73: {  	_ =	shalt  }
0x74: {  	_ =	shalt  }
0x75: {  	_ =	shalt  }
0x76: {  	_ =	shalt  }
0x77: {  	_ =	shalt  }
0x78: {  	_ =	shalt  }
0x79: {  	_ =	shalt  }
0x7a: {  	_ =	shalt  }
0x7b: {  	_ =	shalt  }
0x7c: {  	_ =	shalt  }
0x7d: {  	_ =	shalt  }
0x7e: {  	_ =	shalt  }
0x7f: {  	_ =	shalt  }
0x80: {  	_ =	shalt  }
0x81: {  	_ =	shalt  }
0x82: {  	_ =	shalt  }
0x83: {  	_ =	shalt  }
0x84: {  	_ =	shalt  }
0x85: {  	_ =	shalt  }
0x86: {  	_ =	shalt  }
0x87: {  	_ =	shalt  }
.Lfunc_end0:
.L_simem_size_0:
called_computation_lowered:
.L_overlay_start_0:
0x88: {  	s0 =	sld [smem:$0x3FD9]  }
0x89: {  	s1 =	sld [smem:$0x3FFE];
	_ =	sdelay $0x3  }
0x8a: {  	s0 =	sadd.s32 s1, s0  }
0x8b: {  	[smem:$0x3FC6] =	sst s0  }
0x8c: {  	_ = 	snop  }
0x8d: {  	s0 =	sld [smem:$0x3FC8];
	(tm) =	ssettm $0x1  }
0x8e: {  	s16 =	sld [smem:$0x3FFB];
	_ =	sdelay $0x3  }
0x8f: {  	_ =	strace s16  }
0x90: {  	s1 =	sld [smem:$0x3FFC];
	_ =	sdelay $0x3  }
0x91: {  	_ =	strace s1  }
0x92: {  	s1 =	sld [smem:$0x3FFD];
	_ =	sdelay $0x3  }
0x93: {  	_ =	strace s1  }
0x94: {  	_ =	strace $0x8FFFFFFF  }
0x95: {  	s17 =	sld [smem:$0x3FDB];
	_ =	sdelay $0x1  }
0x96: {  	s2 =	simm.s32 $_scs_section_size  }
0x97: {  	s3 =	simm.s32 $_size__tile_overlayer_lowered;
	s4 =	simm.s32 $_tile_overlayer_lowered  }
0x98: {  	s20 =	simm.s32 $0x1BFF;
	s19 =	sshll.u32 s4, $0x1;
	s1 =	sadd.s32 s2, s17  }
0x99: {  	s5 =	simm.s32 $0x0;
	s18 =	sshll.u32 s3, $0x1;
	s3 =	sadd.s32 s19, s1  }
0x9a: {  	[timem:s5], [sflag:s20] =	dma.local [hbm:s3], s18  }
0x9b: {  	_ =	swait.ge [sflag:s20], s18  }
0x9c: {  	s2 =	ssub.s32 $0x0, s18;
	[sflag:s20] =	ssyncset.done $0x0  }
0x9d: {  	[sflag:s20] =	ssyncadd.s32 s2;
	_ =	sdelay $0x1  }
0x9e: {  	s21 =	simm.s32 $0x1B8B  }
0x9f: {  	_ =	swait.ge [sflag:s21], $0x1  }
0xa0: {  	[sflag:s21] =	ssyncset.done $0x0  }
0xa1: {  	s23 =	simm.s32 $0x1B8E;
	s22 =	sld [smem:$0x3FFE];
	[sflag:s21] =	ssyncadd.s32 $0xFFFFFFFF  }
0xa2: {  	s24 =	simm.s32 $execute0_lowered;
	[smem:$0x3FD2] =	sst s23  }
0xa3: {  	s3 =	sshll.u32 s24, $0x1;
	_ =	strace $0x80000046;
	[dreg:$0x1] =	wrdreg $0xFFFFFFFF  }
0xa4: {  	s25 =	simm.s32 $_size_execute0_lowered;
	s1 =	sadd.s32 s1, s3;
	[dreg:$0x0] =	wrdreg $0x0  }
0xa5: {  	s3 =	sshll.u32 s25, $0x1;
	[dreg:$0x2] =	wrdreg s1  }
0xa6: {  	[dreg:$0x3] =	wrdreg s3  }
0xa7: {  	[dreg:$0x4] =	wrdreg $0xC0  }
0xa8: {  	_ =	task [dreg:s5], $0x5FFFF  }
0xa9: {  	[dreg:$0x1] =	wrdreg $0xFFFFFFFF  }
0xaa: {  	[dreg:$0x0] =	wrdreg $0x60  }
0xab: {  	[dreg:$0x2] =	wrdreg s0  }
0xac: {  	[dreg:$0x3] =	wrdreg s22  }
0xad: {  	[dreg:$0x4] =	wrdreg $0x1C000  }
0xae: {  	[dreg:$0x5] =	wrdreg $0x9  }
0xaf: {  	_ =	task.clear_ibuf [dreg:s5], $0x6FFFF;
	_ =	strace $0x90000046  }
0xb0: {  	s26 =	simm.s32 $0x9;
	_ =	strace $0x80000048  }
0xb1: {  	_ =	swait.ge [sflag:s26], $0x1  }
0xb2: {  	[sflag:s26] =	ssyncadd.s32 $0xFFFFFFFF  }
0xb3: {  	_ =	strace $0x90000048  }
0xb4: {  	_ =	sfence  }
0xb5: {  	s28 =	sld [smem:$0x0];
	_ =	sdelay $0x1  }
0xb6: {  	s29 =	srdreg.scid  }
0xb7: {  	s30 =	sshll.u32 s29, $0xD;
	s31 =	sshrl.u32 s29, $0x2  }
0xb8: {  	s2 =	sand.u32 $0x4000, s30;
	s1 =	sand.u32 $0x1, s29;
	s0 =	sadd.s32 s31, s28  }
0xb9: {  	s1 =	sor.u32 s2, s1;
	s0 =	sshll.u32 s0, $0x11  }
0xba: {  	s0 =	sor.u32 s0, s1  }
0xbb: {  	s0 =	sadd.s32 $0x8F2B, s0  }
0xbc: {  	[sflag:s0] =	ssyncadd.remote.s32 $0x1  }
0xbd: {  	_ =	sfence.sel $0xFFFF  }
0xbe: {  	[dreg:$0x0] =	wrdreg $0xFFFFFFFF;
	(pc) =	sbr.abs _section_cstart, $3  }
0xbf: {  	[dreg:$0x1] =	wrdreg $0xFFFFFFFF  }
0xc0: {  	_ =	task.clear_ibuf [dreg:s5], $0x2FFFF;
	_ =	strace $0x9FFFFFFF  }
0xc1: {  	(tm) =	ssettm $0x7FFFFFFF  }
tec
execute0_lowered:
.L_overlay_start_1:
0x0: {  	(tag) =	ssettag $0x1  }
0x1: {  	s2 =	rddreg [dreg:$0x0]  }
0x2: {  	s6 =	rddreg [dreg:$0x1]  }
0x3: {  	s3 =	rddreg [dreg:$0x2]  }
0x4: {  	s0 =	rddreg [dreg:$0x3];
	s5 =	simm.s32 $0x0;
	s4 =	stileid.u32  }
0x5: {  	[smem:$0x7FF] =	sst s5;
	s1 =	sshll.u32 s4, $0x7  }
0x6: {  	s30 =	simm.s32 $0x1;
	_ =	strace $0x80000047;
	s2 =	sadd.s32 s2, s1  }
0x7: {  	[tilespmem:s5], [sflag:$0x1] =	stream.linear.gather [hbm4b:s2+s5], $0x400, $0x38;
	[tilespmem:$0x1C40] =	vst v63  }
0x8: {  	_ =	swait.ge [sflag:s30], $0x400  }
0x9: {  	[sflag:s30] =	ssyncset.done $0x0  }
0xa: {  	s7 =	simm.s32 $0x0;
	[sflag:s30] =	ssyncadd.s32 $0xFFFFFC00  }
0xb: {  	v1 =	vld [tilespmem:s7+$0x0]  }
0xc: {  	s31 =	sand.u32 $0xE00, s5  }
0xd: {  	v0 =	vimm.f32 $1.000000000e+00;
	s8 =	sand.u32 $0x70, s5;
	s9 =	sshrl.u32 s31, $0x2  }
0xe: {  	s2 =	sadd.s32 $0x800, s6;
	s6 =	simm.s32 $0x40;
	[tilespmem:s7+$0x800] =	vst v0;
	s7 =	sor.u32 s8, s9  }
.LBB2_1:
0xf: {  	s8 =	sshra.s32 s6, $0x2  }
0x10: {  	p0 =	sne.s32 s6, $0xFC0;
	[tilespmem:s7+$0x400] =	vst v1;
	s7 =	smov.u32 s6;
	s6 =	sadd.s32 $0x40, s6  }
.Ltmp0:
0x11: {  	v1 =	vld [tilespmem:s8+$0x0];
	(pc) =	sbr.rel @p0 .LBB2_1-.Ltmp0, $4  }
0x12: {  	_ = 	snop  }
0x13: {  	s5 =	sadd.s32 $0x10, s5;
	s7 =	sand.u32 $0xE00, s7  }
0x14: {  	s9 =	sand.u32 $0x70, s5;
	s7 =	sshrl.u32 s7, $0x2  }
0x15: {  	s7 =	sor.u32 s9, s7;
	[tilespmem:s8+$0x800] =	vst v0  }
0x16: {  	p0 =	sne.s32 s4, $0x0  }
.Ltmp1:
0x17: {  	_ = 	snop;
	(pc) =	sbr.rel @!p0 .LBB2_3-.Ltmp1, $2  }
0x18: {  	_ =	sdelay $0x2  }
0x19: {  	[tilespmem:s7+$0x400] =	vst v1  }
.Ltmp2:
0x1a: {  	(pc) =	sbr.rel .LBB2_7-.Ltmp2, $2  }
0x1b: {  	_ =	sdelay $0x1  }
0x1c: {  	[bflag:$0x0] =	sbarrier.arrive $0xFFFF;
	_ =	sdelay $0x1  }
.LBB2_3:
0x1d: {  	v0 =	vimm.f32 $0.0e+00;
	s4 =	simm.s32 $0x40;
	s5 =	simm.s32 $0x0  }
.LBB2_4:
0x1e: {  	p1 =	sne.s32 s4, $0xFC0;
	[tilespmem:s5+$0xC00] =	vst v0;
	s5 =	smov.u32 s4;
	s4 =	sadd.s32 $0x40, s4  }
.Ltmp3:
0x1f: {  	(pc) =	sbr.rel @p1 .LBB2_4-.Ltmp3, $2  }
0x20: {  	_ =	sdelay $0x2  }
0x21: {  	s5 =	sshra.s32 s5, $0x2  }
0x22: {  	[tilespmem:s5+$0xC00] =	vst v0  }
0x23: {  	s4 =	simm.s32 $0xC00;
	s31 =	simm.s32 $0x1;
	[bflag:$0x0] =	sbarrier.arrive $0xFFFF  }
0x24: {  	[spmem:s3] =	stream.linear.scatter [tilespmem:s4], [sflag:$0x1], $0x400, $0x38;
	[tilespmem:$0x1C40] =	vst v63  }
0x25: {  	_ =	swait.ge [sflag:s31], $0x400  }
0x26: {  	[sflag:s31] =	ssyncset.done $0x0  }
0x27: {  	[sflag:s31] =	ssyncadd.s32 $0xFFFFFC00  }
.LBB2_7:
0x28: {  	[bflag:$0x0] =	sbarrier.arrive $0xFFFF;
	s4 =	simm.s32 $0x80  }
0x29: {  	s5 =	simm.s32 $0x400;
	s6 =	simm.s32 $0x800;
	s16 =	simm.s32 $0x1  }
0x2a: {  	[spmem:s3] =	stream.indirect.scatter.add.f32 [tilespmem:s6], [sflag:$0x1], $0x1, s5, s4, $0xb8;
	[tilespmem:$0x1C40] =	vst v63  }
0x2b: {  	_ =	swait.ge [sflag:s16], $0x80  }
0x2c: {  	[sflag:s16] =	ssyncset.done $0x0  }
0x2d: {  	s17 =	simm.s32 $0x480;
	s7 =	simm.s32 $0x880;
	[sflag:s16] =	ssyncadd.s32 $0xFFFFFF80  }
0x2e: {  	[spmem:s3] =	stream.indirect.scatter.add.f32 [tilespmem:s7], [sflag:$0x1], $0x1, s17, s4, $0xb8;
	[tilespmem:$0x1C40] =	vst v63  }
0x2f: {  	_ =	swait.ge [sflag:s16], $0x80  }
0x30: {  	[sflag:s16] =	ssyncset.done $0x0  }
0x31: {  	s18 =	simm.s32 $0x500;
	s19 =	simm.s32 $0x900;
	[sflag:s16] =	ssyncadd.s32 $0xFFFFFF80  }
0x32: {  	[spmem:s3] =	stream.indirect.scatter.add.f32 [tilespmem:s19], [sflag:$0x1], $0x1, s18, s4, $0xb8;
	[tilespmem:$0x1C40] =	vst v63  }
0x33: {  	_ =	swait.ge [sflag:s16], $0x80  }
0x34: {  	[sflag:s16] =	ssyncset.done $0x0  }
0x35: {  	s20 =	simm.s32 $0x580;
	s21 =	simm.s32 $0x980;
	[sflag:s16] =	ssyncadd.s32 $0xFFFFFF80  }
0x36: {  	[spmem:s3] =	stream.indirect.scatter.add.f32 [tilespmem:s21], [sflag:$0x1], $0x1, s20, s4, $0xb8;
	[tilespmem:$0x1C40] =	vst v63  }
0x37: {  	_ =	swait.ge [sflag:s16], $0x80  }
0x38: {  	[sflag:s16] =	ssyncset.done $0x0  }
0x39: {  	s22 =	simm.s32 $0x600;
	s23 =	simm.s32 $0xA00;
	[sflag:s16] =	ssyncadd.s32 $0xFFFFFF80  }
0x3a: {  	[spmem:s3] =	stream.indirect.scatter.add.f32 [tilespmem:s23], [sflag:$0x1], $0x1, s22, s4, $0xb8;
	[tilespmem:$0x1C40] =	vst v63  }
0x3b: {  	_ =	swait.ge [sflag:s16], $0x80  }
0x3c: {  	[sflag:s16] =	ssyncset.done $0x0  }
0x3d: {  	s24 =	simm.s32 $0x680;
	s25 =	simm.s32 $0xA80;
	[sflag:s16] =	ssyncadd.s32 $0xFFFFFF80  }
0x3e: {  	[spmem:s3] =	stream.indirect.scatter.add.f32 [tilespmem:s25], [sflag:$0x1], $0x1, s24, s4, $0xb8;
	[tilespmem:$0x1C40] =	vst v63  }
0x3f: {  	_ =	swait.ge [sflag:s16], $0x80  }
0x40: {  	[sflag:s16] =	ssyncset.done $0x0  }
0x41: {  	s26 =	simm.s32 $0x700;
	s28 =	simm.s32 $0xB00;
	[sflag:s16] =	ssyncadd.s32 $0xFFFFFF80  }
0x42: {  	[spmem:s3] =	stream.indirect.scatter.add.f32 [tilespmem:s28], [sflag:$0x1], $0x1, s26, s4, $0xb8;
	[tilespmem:$0x1C40] =	vst v63  }
0x43: {  	_ =	swait.ge [sflag:s16], $0x80  }
0x44: {  	[sflag:s16] =	ssyncset.done $0x0  }
0x45: {  	s29 =	simm.s32 $0x780;
	s30 =	simm.s32 $0xB80;
	[sflag:s16] =	ssyncadd.s32 $0xFFFFFF80  }
0x46: {  	[spmem:s3] =	stream.indirect.scatter.add.f32 [tilespmem:s30], [sflag:$0x1], $0x1, s29, s4, $0xb8;
	[tilespmem:$0x1C40] =	vst v63  }
0x47: {  	_ =	swait.ge [sflag:s16], $0x80  }
0x48: {  	[sflag:s16] =	ssyncset.done $0x0  }
0x49: {  	[sflag:s16] =	ssyncadd.s32 $0xFFFFFF80  }
0x4a: {  	s31 =	simm.s32 $0x1000;
	[bflag:$0x0] =	sbarrier.arrive $0xFFFF  }
0x4b: {  	[tilespmem:s31], [sflag:$0x1] =	stream.linear.gather [spmem:s3], $0x400, $0x38;
	[tilespmem:$0x1C40] =	vst v63  }
0x4c: {  	_ =	swait.ge [sflag:s16], $0x400  }
0x4d: {  	[sflag:s16] =	ssyncset.done $0x0  }
0x4e: {  	s3 =	simm.s32 $0x0;
	[sflag:s16] =	ssyncadd.s32 $0xFFFFFC00  }
0x4f: {  	v0 =	vld [tilespmem:s3+$0x1000];
	_ =	sdelay $0x4  }
0x50: {  	s4 =	simm.s32 $0x10;
	v0 =	vmul.f32 $6.103515630e-05, v0  }
0x51: {  	v1 =	vld [tilespmem:s4+$0x1000]  }
0x52: {  	v0 =	vmul.f32 $-1.005033590e-02, v0;
	_ =	sdelay $0x1  }
0x53: {  	v0 =	vmul.f32 $1.442695020e+00, v0  }
0x54: {  	s5 =	simm.s32 $0x20  }
0x55: {  	v1 =	vmul.f32 $6.103515630e-05, v1;
	(erf) = vpow2.f32 v0;
	v0 =	vld [tilespmem:s5+$0x1000];
	_ =	sdelay $0x1  }
0x56: {  	v1 =	vmul.f32 $-1.005033590e-02, v1;
	_ =	sdelay $0x1  }
0x57: {  	v1 =	vmul.f32 $1.442695020e+00, v1  }
0x58: {  	s6 =	simm.s32 $0x30;
	v0 =	vmul.f32 $6.103515630e-05, v0  }
0x59: {  	(erf) = vpow2.f32 v1;
	v1 =	vld [tilespmem:s6+$0x1000]  }
0x5a: {  	v0 =	vmul.f32 $-1.005033590e-02, v0;
	_ =	sdelay $0x1  }
0x5b: {  	v2 =	vpop (erf);
	v0 =	vmul.f32 $1.442695020e+00, v0  }
0x5c: {  	v2 =	vsub.f32 $1.000000000e+00, v2  }
0x5d: {  	s7 =	simm.s32 $0x40;
	v1 =	vmul.f32 $6.103515630e-05, v1;
	(erf) = vpow2.f32 v0  }
0x5e: {  	v0 =	vld [tilespmem:s7+$0x1000];
	(erf) = vrcp.f32 v2  }
0x5f: {  	v1 =	vmul.f32 $-1.005033590e-02, v1;
	_ =	sdelay $0x1  }
0x60: {  	v1 =	vmul.f32 $1.442695020e+00, v1;
	v2 =	vpop (erf)  }
0x61: {  	v2 =	vsub.f32 $1.000000000e+00, v2  }
0x62: {  	s8 =	simm.s32 $0x50;
	(erf) = vpow2.f32 v1;
	v0 =	vmul.f32 $6.103515630e-05, v0  }
0x63: {  	v1 =	vld [tilespmem:s8+$0x1000];
	(erf) = vrcp.f32 v2  }
0x64: {  	v0 =	vmul.f32 $-1.005033590e-02, v0  }
0x65: {  	v4 =	vpop (erf)  }
0x66: {  	s1 =	sadd.s32 s2, s1;
	s2 =	simm.s32 $0x80;
	v3 =	vmul.f32 $1.442695020e+00, v0;
	v5 =	vpop (erf)  }
0x67: {  	s11 =	simm.s32 $0x180;
	s10 =	simm.s32 $0x0;
	s9 =	simm.s32 $0x10;
	v2 =	vsub.f32 $1.000000000e+00, v4;
	v0 =	vmul.f32 $9.999999770e-03, v5  }
.LBB2_8:
0x68: {  	s12 =	sshra.s32 s11, $0x2;
	v4 =	vmul.f32 $6.103515630e-05, v1;
	(erf) = vpow2.f32 v3;
	p1 =	sne.s32 s11, $0xFC0  }
.Ltmp4:
0x69: {  	s11 =	sadd.s32 $0x40, s11;
	v1 =	vld [tilespmem:s12+$0x1000];
	(erf) = vrcp.f32 v2;
	[tilespmem:s10+$0x1400] =	vst v0;
	(pc) =	sbr.rel @p1 .LBB2_8-.Ltmp4, $4  }
0x6a: {  	s10 =	smov.u32 s9;
	s9 =	smov.u32 s5;
	s5 =	smov.u32 s6;
	v4 =	vmul.f32 $-1.005033590e-02, v4  }
0x6b: {  	s6 =	smov.u32 s7;
	s7 =	smov.u32 s8;
	s8 =	smov.u32 s12;
	v2 =	vpop (erf)  }
0x6c: {  	v3 =	vmul.f32 $1.442695020e+00, v4;
	v0 =	vpop (erf)  }
0x6d: {  	v2 =	vsub.f32 $1.000000000e+00, v2;
	v0 =	vmul.f32 $9.999999770e-03, v0  }
0x6e: {  	v1 =	vmul.f32 $6.103515630e-05, v1;
	_ =	sdelay $0x1  }
0x6f: {  	v1 =	vmul.f32 $-1.005033590e-02, v1;
	_ =	sdelay $0x1  }
0x70: {  	(erf) = vpow2.f32 v3;
	v1 =	vmul.f32 $1.442695020e+00, v1  }
0x71: {  	(erf) = vrcp.f32 v2  }
0x72: {  	(erf) = vpow2.f32 v1;
	_ =	sdelay $0x4  }
0x73: {  	v1 =	vpop (erf)  }
0x74: {  	v2 =	vpop (erf)  }
0x75: {  	v3 =	vpop (erf)  }
0x76: {  	v1 =	vsub.f32 $1.000000000e+00, v1;
	v4 =	vpop (erf)  }
0x77: {  	v3 =	vsub.f32 $1.000000000e+00, v3;
	v5 =	vpop (erf)  }
0x78: {  	(erf) = vrcp.f32 v1;
	v1 =	vsub.f32 $1.000000000e+00, v5  }
0x79: {  	(erf) = vrcp.f32 v3  }
0x7a: {  	(erf) = vrcp.f32 v1;
	_ =	sdelay $0x5  }
0x7b: {  	v1 =	vmul.f32 $9.999999770e-03, v2  }
0x7c: {  	[tilespmem:s10+$0x1400] =	vst v0;
	v0 =	vmul.f32 $9.999999770e-03, v4;
	v2 =	vpop (erf)  }
0x7d: {  	[tilespmem:s9+$0x1400] =	vst v1;
	v1 =	vmul.f32 $9.999999770e-03, v2;
	v2 =	vpop (erf)  }
0x7e: {  	[tilespmem:s5+$0x1400] =	vst v0;
	v0 =	vmul.f32 $9.999999770e-03, v2;
	v2 =	vpop (erf)  }
0x7f: {  	[tilespmem:s6+$0x1400] =	vst v1;
	v1 =	vmul.f32 $9.999999770e-03, v2  }
0x80: {  	[tilespmem:s7+$0x1400] =	vst v0  }
0x81: {  	[tilespmem:s8+$0x1400] =	vst v1  }
0x82: {  	v0 =	vld [tilespmem:s3+$0x0];
	_ =	sdelay $0x6  }
0x83: {  	s5 =	simm.s32 $0x1400  }
0x84: {  	v0 =	vld.idx.msk [tilespmem:v0+s5+$0x0], $0xffff  }
.LBB2_10:
0x85: {  	p1 =	sne.s32 s2, $0xFC0;
	v1 =	vld [tilespmem:s4+$0x0];
	_ =	sdelay $0x3  }
.Ltmp5:
0x86: {  	(pc) =	sbr.rel @p1 .LBB2_10-.Ltmp5, $2  }
0x87: {  	[tilespmem:s3+$0x1800] =	vst v0;
	s3 =	smov.u32 s4;
	_ =	sdelay $0x2  }
0x88: {  	s4 =	sshra.s32 s2, $0x2;
	s2 =	sadd.s32 $0x40, s2;
	v0 =	vld.idx.msk [tilespmem:v1+s5+$0x0], $0xffff  }
0x89: {  	v1 =	vld [tilespmem:s4+$0x0];
	_ =	sdelay $0x6  }
0x8a: {  	[tilespmem:s3+$0x1800] =	vst v0  }
0x8b: {  	v0 =	vld.idx.msk [tilespmem:v1+s5+$0x0], $0xffff;
	_ =	sdelay $0x4  }
0x8c: {  	s2 =	simm.s32 $0x0;
	[tilespmem:s4+$0x1800] =	vst v0  }
0x8d: {  	s30 =	simm.s32 $0x1800;
	s31 =	simm.s32 $0x1;
	[bflag:$0x0] =	sbarrier.arrive $0xFFFF  }
0x8e: {  	[hbm4b:s1+s2] =	stream.linear.scatter [tilespmem:s30], [sflag:$0x1], $0x400, $0x38;
	[tilespmem:$0x1C40] =	vst v63  }
0x8f: {  	_ =	swait.ge [sflag:s31], $0x400  }
0x90: {  	[sflag:s31] =	ssyncset.done $0x0  }
0x91: {  	[sflag:s31] =	ssyncadd.s32 $0xFFFFFC00  }
0x92: {  	_ =	sfence.sel $0x180000  }
0x93: {  	[bflag:$0x0] =	sbarrier.arrive $0xFFFF  }
0x94: {  	_ =	strace $0x90000047  }
0x95: {  	s0 =	sadd.s32 @!p0 $0x100000, s0;
	[bflag:$0x2] =	sbarrier.arrive $0xFFFF  }
0x96: {  	[sflag:s0] =	ssyncadd.tile.s32 @!p0 $0x1;
	_ =	shalt  }
.Lfunc_end2:
_tile_overlayer_lowered:
.L_overlay_start_2:
0x97: {  	(tag) =	ssettag $0x2  }
0x98: {  	s0 =	rddreg [dreg:$0x0];
	s2 =	stileid.u32  }
0x99: {  	s1 =	rddreg [dreg:$0x1];
	p0 =	sne.s32 s2, $0x0  }
0x9a: {  	s3 =	rddreg [dreg:$0x2];
	[bflag:$0x3] =	sbarrier.arrive $0xFFFF;
	s2 =	simm.s32 @!p0 $0x1C01  }
0x9b: {  	[timem:s3], [sflag:s2] =	dma.local @!p0 [hbm:s0], s1  }
0x9c: {  	s0 =	simm.s32 @!p0 $0x1  }
0x9d: {  	_ =	swait.ge @!p0 [sflag:s0], s1  }
0x9e: {  	s1 =	ssub.s32 @!p0 $0x0, s1;
	[sflag:s0] =	ssyncset.done @!p0 $0x0  }
0x9f: {  	[sflag:s0] =	ssyncadd.s32 @!p0 s1  }
0xa0: {  	[bflag:$0x3] =	sbarrier.arrive $0xFFFF  }
0xa1: {  	_ =	shalt  }

</sc_bundles>
